<compile_context>
chip_gen: v7x
topology: tpu7x:2x2x1
jax: 0.10.2.dev20260603
libtpu: 0.0.44.dev20260713+nightly
codegen_flags: <defaults>
</compile_context>

<pallas_src>
import math

import jax
import jax.numpy as jnp
from jax import lax
from jax.experimental import pallas as pl
from jax.experimental.pallas import tpu as pltpu
from jax.experimental.pallas import tpu_sc as plsc

ALPHA = 1e-4
BETA = 1.0
MAX_STD = 1000.0
MIN_STD = 1.0

_INV_SQRT_2PI = 1.0 / math.sqrt(2.0 * math.pi)

_SC_INFO = plsc.get_sparse_core_info()
_NC = _SC_INFO.num_cores
_NS = _SC_INFO.num_subcores
_NW = _NC * _NS
_LANES = _SC_INFO.num_lanes


def _sc_l1_body(params_hbm, out_hbm, buf, acc_vmem):
    wid = lax.axis_index("s") * _NC + lax.axis_index("c")
    chunk = buf.shape[0]
    pltpu.sync_copy(params_hbm.at[pl.ds(wid * chunk, chunk)], buf)

    def step(i, acc):
        return acc + jnp.abs(buf[pl.ds(i * _LANES, _LANES)])

    acc = lax.fori_loop(0, chunk // _LANES, step,
                        jnp.zeros((_LANES,), jnp.float32), unroll=16)
    acc_vmem[...] = acc
    pltpu.sync_copy(acc_vmem, out_hbm.at[wid])


def _tc_body(logits_ref, labels_ref, aw_ref, len_ref, partials_ref,
             loss_ref, nll_ref):
    lt = logits_ref[...]
    b = lt.shape[1]
    l0 = lt[0:1, :]
    l1 = lt[1:2, :]
    m = jnp.maximum(l0, l1)
    lse = m + jnp.log(jnp.exp(l0 - m) + jnp.exp(l1 - m))
    lab_row = labels_ref[...].reshape(1, b)
    picked = jnp.where(lab_row == 1, l1, l0) - lse
    nll = -jnp.sum(picked) / b
    labels = labels_ref[...].reshape(b, 1)

    aw = aw_ref[...].reshape(b, -1)
    seg_len = aw.shape[1]
    idx = jax.lax.broadcasted_iota(jnp.int32, (b, seg_len), 1)
    x = (idx.astype(jnp.float32) + 1.0) / seg_len
    sums = jnp.sum(aw, axis=1, keepdims=True)
    means = jnp.sum(x * aw, axis=1, keepdims=True) / sums
    len_f = len_ref[...].reshape(b, 1).astype(jnp.float32)
    ideal_stds = jnp.where(labels == 1, MIN_STD / len_f, MAX_STD / len_f)
    z = (x - means) / ideal_stds
    r_hats = jnp.exp(-0.5 * z * z) * (_INV_SQRT_2PI / ideal_stds)
    rs = r_hats / (jnp.sum(r_hats, axis=1, keepdims=True) + 1e-6)
    diff = aw - rs
    aw_penalty = (BETA / 2.0) * jnp.mean(diff * diff)

    penalty = (ALPHA / 2.0) * jnp.sum(partials_ref[...])

    nll_ref[...] = nll
    loss_ref[...] = nll + penalty + aw_penalty


@jax.jit
def _run(logits, labels, attention_weights, lengths, params):
    chunk = params.shape[0] // _NW
    sc_l1 = pl.kernel(
        _sc_l1_body,
        out_type=jax.ShapeDtypeStruct((_NW, _LANES), jnp.float32),
        mesh=plsc.VectorSubcoreMesh(core_axis_name="c",
                                    subcore_axis_name="s"),
        scratch_types=[
            pltpu.VMEM((chunk,), jnp.float32),
            pltpu.VMEM((_LANES,), jnp.float32),
        ],
    )
    partials = sc_l1(params)

    vmem = pl.BlockSpec(memory_space=pltpu.VMEM)
    smem = pl.BlockSpec(memory_space=pltpu.SMEM)
    out = pl.pallas_call(
        _tc_body,
        in_specs=[vmem] * 5,
        out_specs=(smem, smem),
        out_shape=(
            jax.ShapeDtypeStruct((), jnp.float32),
            jax.ShapeDtypeStruct((), jnp.float32),
        ),
    )(logits.T, labels, attention_weights, lengths, partials)
    return out


def kernel(logits, labels, attention_weights, lengths, params):
    return _run(logits, labels, attention_weights, lengths, params)

# --- scband reference (transcript-rebuilt; emitter-appended) ---
"""Pipeline reference for scband-guided-attention-l1-loss-77481210020089 (READ-ONLY COPY).

The authoritative reference and input builder live on the scoring server;
editing this copy changes nothing except your own understanding.
"""

import jax, jax.numpy as jnp
import numpy as np

ALPHA = 1e-4
BETA = 1.0
MAX_STD = 1000.0
MIN_STD = 1.0
B = 16
SEG_LEN = 2048
TOT = B * SEG_LEN
C = 2
P = 1048576


def normal_pdf(x, mean, std):
    return jnp.exp(-0.5 * ((x - mean) / std) ** 2) / (std * jnp.sqrt(2.0 * jnp.pi))


def setup_inputs(seed: int = 0) -> dict:
    key = jax.random.key(seed)
    k1, k2, k3, k4 = jax.random.split(key, 4)
    logits = jax.random.normal(k1, (B, C), dtype=jnp.float32)
    labels = jax.random.randint(k2, (B,), 0, 2, dtype=jnp.int32)
    attention_weights = jax.random.uniform(k3, (TOT,), dtype=jnp.float32)
    lengths = jnp.full((B,), SEG_LEN, dtype=jnp.int32)
    params = jax.random.normal(k4, (P,), dtype=jnp.float32)
    return {
        'logits': logits,
        'labels': labels,
        'attention_weights': attention_weights,
        'lengths': lengths,
        'params': params,
    }


def reference(logits, labels, attention_weights, lengths, params):
    b = lengths.shape[0]
    seg_len = attention_weights.shape[0] // b
    aw = attention_weights.reshape(b, seg_len)
    len_f = jnp.asarray(lengths, dtype=jnp.float32)

    # nll = CrossEntropyLoss(logits, labels), mean reduction
    logp = jax.nn.log_softmax(logits, axis=-1)
    picked = jnp.take_along_axis(logp, labels[:, None].astype(jnp.int32), axis=1)[:, 0]
    nll = -jnp.mean(picked)

    # no_grad block: compute target attention distributions rs
    x = jnp.arange(1, seg_len + 1, dtype=jnp.float32) / float(seg_len)  # get_x per segment (equal lengths)
    sums = jnp.sum(aw, axis=1)
    means = jnp.sum(x[None, :] * aw, axis=1) / sums
    ideal_stds = jnp.where(labels == 1, MIN_STD / len_f, MAX_STD / len_f)
    r_hats = normal_pdf(x[None, :], means[:, None], ideal_stds[:, None])
    rs = r_hats / (jnp.sum(r_hats, axis=1, keepdims=True) + 1e-6)
    rs = jax.lax.stop_gradient(rs)

    penalty = ALPHA / 2.0 * jnp.sum(jnp.abs(params))
    diff = aw - rs
    attention_weights_penalty = BETA / 2.0 * jnp.mean(jnp.mean(diff ** 2, axis=1))
    loss = nll + penalty + attention_weights_penalty
    return (loss, nll)

if __name__ == "__main__":
    import jax
    _d = setup_inputs()
    print(jax.jit(kernel)(*tuple(_d.values())))

</pallas_src>

<mosaic_0001>
#map = affine_map<(d0, d1) -> (0)>
#map1 = affine_map<(d0, d1) -> (0, 0)>
module attributes {stable_mosaic.version = 14 : i64} {
  func.func @_sc_l1_body(%arg0: i32, %arg1: i32, %arg2: memref<1048576xf32, #tpu.memory_space<hbm>>, %arg3: memref<32x16xf32, #tpu.memory_space<hbm>>, %arg4: memref<32768xf32, #tpu.memory_space<vmem>>, %arg5: memref<16xf32, #tpu.memory_space<vmem>>) attributes {dimension_semantics = [#tpu.dimension_semantics<core_parallel>, #tpu.dimension_semantics<subcore_parallel>], iteration_bounds = array<i64: 2, 16>, scalar_prefetch = 0 : i64, scratch_operands = 2 : i64, tpu.core_type = #tpu.core_type<sc_vector_subcore>, window_params = [{transform_indices = #map}, {transform_indices = #map1}]} {
    %mul3A = arith.constant 2 : i32
    %mul3A_0 = arith.muli %arg1, %mul3A : i32
    %add3A = arith.addi %mul3A_0, %arg0 : i32
    %mul3A_1 = arith.constant 32768 : i32
    %mul3A_2 = arith.muli %add3A, %mul3A_1 : i32
    "tpu.region"() ({
      %run_scoped3A = tpu.sem_alloc : memref<!tpu.dma_semaphore, #tpu.memory_space<semaphore_mem>>
      %dma_start3A = tpu.memref_slice %arg2[%mul3A_2] : memref<1048576xf32, #tpu.memory_space<hbm>> -> memref<32768xf32, #tpu.memory_space<hbm>>
      %dma_start3A_12 = tpu.memref_slice %arg2[%mul3A_2] : memref<1048576xf32, #tpu.memory_space<hbm>> -> memref<32768xf32, #tpu.memory_space<hbm>>
      tpu.enqueue_dma source(%dma_start3A_12 : memref<32768xf32, #tpu.memory_space<hbm>>) target(%arg4 : memref<32768xf32, #tpu.memory_space<vmem>>) target_semaphore(%run_scoped3A : memref<!tpu.dma_semaphore, #tpu.memory_space<semaphore_mem>>)
      %dma_wait3A = tpu.memref_slice %arg2[%mul3A_2] : memref<1048576xf32, #tpu.memory_space<hbm>> -> memref<32768xf32, #tpu.memory_space<hbm>>
      %dma_wait3A_13 = tpu.memref_slice %arg2[%mul3A_2] : memref<1048576xf32, #tpu.memory_space<hbm>> -> memref<32768xf32, #tpu.memory_space<hbm>>
      tpu.wait_dma2 semaphore(%run_scoped3A : memref<!tpu.dma_semaphore, #tpu.memory_space<semaphore_mem>>) src(%dma_wait3A_13 : memref<32768xf32, #tpu.memory_space<hbm>>) dst(%arg4 : memref<32768xf32, #tpu.memory_space<vmem>>)
      tpu.yield
    }) : () -> ()
    %broadcast_in_dim3A = arith.constant 0.000000e+00 : f32
    %broadcast_in_dim3A_3 = vector.broadcast %broadcast_in_dim3A : f32 to vector<16xf32>
    %scan3A = arith.constant 0 : i32
    %scan3A_4 = arith.constant 2048 : i32
    %scan3A_5 = arith.addi %scan3A, %scan3A_4 : i32
    %scan3A_6 = arith.constant 16 : i32
    %scan3A_7 = scf.for %scan3A_12 = %scan3A to %scan3A_5 step %scan3A_6 iter_args(%scan3A_13 = %broadcast_in_dim3A_3) -> (vector<16xf32>)  : i32 {
      %mul3A_14 = arith.constant 16 : i32
      %mul3A_15 = arith.muli %scan3A_12, %mul3A_14 : i32
      %get3A = arith.index_cast %mul3A_15 : i32 to index
      %get3A_16 = tpu.vector_load %arg4[%get3A] {strides = array<i32>} : memref<32768xf32, #tpu.memory_space<vmem>>, vector<16xf32>,
      %get3A_17 = vector.shape_cast %get3A_16 : vector<16xf32> to vector<16xf32>
      %abs3A = math.absf %get3A_17 : vector<16xf32>
      %add3A_18 = arith.addf %scan3A_13, %abs3A : vector<16xf32>
      %scan3A_19 = arith.constant 1 : i32
      %scan3A_20 = arith.addi %scan3A_12, %scan3A_19 : i32
      %mul3A_21 = arith.constant 16 : i32
      %mul3A_22 = arith.muli %scan3A_20, %mul3A_21 : i32
      %get3A_23 = arith.index_cast %mul3A_22 : i32 to index
      %get3A_24 = tpu.vector_load %arg4[%get3A_23] {strides = array<i32>} : memref<32768xf32, #tpu.memory_space<vmem>>, vector<16xf32>,
      %get3A_25 = vector.shape_cast %get3A_24 : vector<16xf32> to vector<16xf32>
      %abs3A_26 = math.absf %get3A_25 : vector<16xf32>
      %add3A_27 = arith.addf %add3A_18, %abs3A_26 : vector<16xf32>
      %scan3A_28 = arith.constant 2 : i32
      %scan3A_29 = arith.addi %scan3A_12, %scan3A_28 : i32
      %mul3A_30 = arith.constant 16 : i32
      %mul3A_31 = arith.muli %scan3A_29, %mul3A_30 : i32
      %get3A_32 = arith.index_cast %mul3A_31 : i32 to index
      %get3A_33 = tpu.vector_load %arg4[%get3A_32] {strides = array<i32>} : memref<32768xf32, #tpu.memory_space<vmem>>, vector<16xf32>,
      %get3A_34 = vector.shape_cast %get3A_33 : vector<16xf32> to vector<16xf32>
      %abs3A_35 = math.absf %get3A_34 : vector<16xf32>
      %add3A_36 = arith.addf %add3A_27, %abs3A_35 : vector<16xf32>
      %scan3A_37 = arith.constant 3 : i32
      %scan3A_38 = arith.addi %scan3A_12, %scan3A_37 : i32
      %mul3A_39 = arith.constant 16 : i32
      %mul3A_40 = arith.muli %scan3A_38, %mul3A_39 : i32
      %get3A_41 = arith.index_cast %mul3A_40 : i32 to index
      %get3A_42 = tpu.vector_load %arg4[%get3A_41] {strides = array<i32>} : memref<32768xf32, #tpu.memory_space<vmem>>, vector<16xf32>,
      %get3A_43 = vector.shape_cast %get3A_42 : vector<16xf32> to vector<16xf32>
      %abs3A_44 = math.absf %get3A_43 : vector<16xf32>
      %add3A_45 = arith.addf %add3A_36, %abs3A_44 : vector<16xf32>
      %scan3A_46 = arith.constant 4 : i32
      %scan3A_47 = arith.addi %scan3A_12, %scan3A_46 : i32
      %mul3A_48 = arith.constant 16 : i32
      %mul3A_49 = arith.muli %scan3A_47, %mul3A_48 : i32
      %get3A_50 = arith.index_cast %mul3A_49 : i32 to index
      %get3A_51 = tpu.vector_load %arg4[%get3A_50] {strides = array<i32>} : memref<32768xf32, #tpu.memory_space<vmem>>, vector<16xf32>,
      %get3A_52 = vector.shape_cast %get3A_51 : vector<16xf32> to vector<16xf32>
      %abs3A_53 = math.absf %get3A_52 : vector<16xf32>
      %add3A_54 = arith.addf %add3A_45, %abs3A_53 : vector<16xf32>
      %scan3A_55 = arith.constant 5 : i32
      %scan3A_56 = arith.addi %scan3A_12, %scan3A_55 : i32
      %mul3A_57 = arith.constant 16 : i32
      %mul3A_58 = arith.muli %scan3A_56, %mul3A_57 : i32
      %get3A_59 = arith.index_cast %mul3A_58 : i32 to index
      %get3A_60 = tpu.vector_load %arg4[%get3A_59] {strides = array<i32>} : memref<32768xf32, #tpu.memory_space<vmem>>, vector<16xf32>,
      %get3A_61 = vector.shape_cast %get3A_60 : vector<16xf32> to vector<16xf32>
      %abs3A_62 = math.absf %get3A_61 : vector<16xf32>
      %add3A_63 = arith.addf %add3A_54, %abs3A_62 : vector<16xf32>
      %scan3A_64 = arith.constant 6 : i32
      %scan3A_65 = arith.addi %scan3A_12, %scan3A_64 : i32
      %mul3A_66 = arith.constant 16 : i32
      %mul3A_67 = arith.muli %scan3A_65, %mul3A_66 : i32
      %get3A_68 = arith.index_cast %mul3A_67 : i32 to index
      %get3A_69 = tpu.vector_load %arg4[%get3A_68] {strides = array<i32>} : memref<32768xf32, #tpu.memory_space<vmem>>, vector<16xf32>,
      %get3A_70 = vector.shape_cast %get3A_69 : vector<16xf32> to vector<16xf32>
      %abs3A_71 = math.absf %get3A_70 : vector<16xf32>
      %add3A_72 = arith.addf %add3A_63, %abs3A_71 : vector<16xf32>
      %scan3A_73 = arith.constant 7 : i32
      %scan3A_74 = arith.addi %scan3A_12, %scan3A_73 : i32
      %mul3A_75 = arith.constant 16 : i32
      %mul3A_76 = arith.muli %scan3A_74, %mul3A_75 : i32
      %get3A_77 = arith.index_cast %mul3A_76 : i32 to index
      %get3A_78 = tpu.vector_load %arg4[%get3A_77] {strides = array<i32>} : memref<32768xf32, #tpu.memory_space<vmem>>, vector<16xf32>,
      %get3A_79 = vector.shape_cast %get3A_78 : vector<16xf32> to vector<16xf32>
      %abs3A_80 = math.absf %get3A_79 : vector<16xf32>
      %add3A_81 = arith.addf %add3A_72, %abs3A_80 : vector<16xf32>
      %scan3A_82 = arith.constant 8 : i32
      %scan3A_83 = arith.addi %scan3A_12, %scan3A_82 : i32
      %mul3A_84 = arith.constant 16 : i32
      %mul3A_85 = arith.muli %scan3A_83, %mul3A_84 : i32
      %get3A_86 = arith.index_cast %mul3A_85 : i32 to index
      %get3A_87 = tpu.vector_load %arg4[%get3A_86] {strides = array<i32>} : memref<32768xf32, #tpu.memory_space<vmem>>, vector<16xf32>,
      %get3A_88 = vector.shape_cast %get3A_87 : vector<16xf32> to vector<16xf32>
      %abs3A_89 = math.absf %get3A_88 : vector<16xf32>
      %add3A_90 = arith.addf %add3A_81, %abs3A_89 : vector<16xf32>
      %scan3A_91 = arith.constant 9 : i32
      %scan3A_92 = arith.addi %scan3A_12, %scan3A_91 : i32
      %mul3A_93 = arith.constant 16 : i32
      %mul3A_94 = arith.muli %scan3A_92, %mul3A_93 : i32
      %get3A_95 = arith.index_cast %mul3A_94 : i32 to index
      %get3A_96 = tpu.vector_load %arg4[%get3A_95] {strides = array<i32>} : memref<32768xf32, #tpu.memory_space<vmem>>, vector<16xf32>,
      %get3A_97 = vector.shape_cast %get3A_96 : vector<16xf32> to vector<16xf32>
      %abs3A_98 = math.absf %get3A_97 : vector<16xf32>
      %add3A_99 = arith.addf %add3A_90, %abs3A_98 : vector<16xf32>
      %scan3A_100 = arith.constant 10 : i32
      %scan3A_101 = arith.addi %scan3A_12, %scan3A_100 : i32
      %mul3A_102 = arith.constant 16 : i32
      %mul3A_103 = arith.muli %scan3A_101, %mul3A_102 : i32
      %get3A_104 = arith.index_cast %mul3A_103 : i32 to index
      %get3A_105 = tpu.vector_load %arg4[%get3A_104] {strides = array<i32>} : memref<32768xf32, #tpu.memory_space<vmem>>, vector<16xf32>,
      %get3A_106 = vector.shape_cast %get3A_105 : vector<16xf32> to vector<16xf32>
      %abs3A_107 = math.absf %get3A_106 : vector<16xf32>
      %add3A_108 = arith.addf %add3A_99, %abs3A_107 : vector<16xf32>
      %scan3A_109 = arith.constant 11 : i32
      %scan3A_110 = arith.addi %scan3A_12, %scan3A_109 : i32
      %mul3A_111 = arith.constant 16 : i32
      %mul3A_112 = arith.muli %scan3A_110, %mul3A_111 : i32
      %get3A_113 = arith.index_cast %mul3A_112 : i32 to index
      %get3A_114 = tpu.vector_load %arg4[%get3A_113] {strides = array<i32>} : memref<32768xf32, #tpu.memory_space<vmem>>, vector<16xf32>,
      %get3A_115 = vector.shape_cast %get3A_114 : vector<16xf32> to vector<16xf32>
      %abs3A_116 = math.absf %get3A_115 : vector<16xf32>
      %add3A_117 = arith.addf %add3A_108, %abs3A_116 : vector<16xf32>
      %scan3A_118 = arith.constant 12 : i32
      %scan3A_119 = arith.addi %scan3A_12, %scan3A_118 : i32
      %mul3A_120 = arith.constant 16 : i32
      %mul3A_121 = arith.muli %scan3A_119, %mul3A_120 : i32
      %get3A_122 = arith.index_cast %mul3A_121 : i32 to index
      %get3A_123 = tpu.vector_load %arg4[%get3A_122] {strides = array<i32>} : memref<32768xf32, #tpu.memory_space<vmem>>, vector<16xf32>,
      %get3A_124 = vector.shape_cast %get3A_123 : vector<16xf32> to vector<16xf32>
      %abs3A_125 = math.absf %get3A_124 : vector<16xf32>
      %add3A_126 = arith.addf %add3A_117, %abs3A_125 : vector<16xf32>
      %scan3A_127 = arith.constant 13 : i32
      %scan3A_128 = arith.addi %scan3A_12, %scan3A_127 : i32
      %mul3A_129 = arith.constant 16 : i32
      %mul3A_130 = arith.muli %scan3A_128, %mul3A_129 : i32
      %get3A_131 = arith.index_cast %mul3A_130 : i32 to index
      %get3A_132 = tpu.vector_load %arg4[%get3A_131] {strides = array<i32>} : memref<32768xf32, #tpu.memory_space<vmem>>, vector<16xf32>,
      %get3A_133 = vector.shape_cast %get3A_132 : vector<16xf32> to vector<16xf32>
      %abs3A_134 = math.absf %get3A_133 : vector<16xf32>
      %add3A_135 = arith.addf %add3A_126, %abs3A_134 : vector<16xf32>
      %scan3A_136 = arith.constant 14 : i32
      %scan3A_137 = arith.addi %scan3A_12, %scan3A_136 : i32
      %mul3A_138 = arith.constant 16 : i32
      %mul3A_139 = arith.muli %scan3A_137, %mul3A_138 : i32
      %get3A_140 = arith.index_cast %mul3A_139 : i32 to index
      %get3A_141 = tpu.vector_load %arg4[%get3A_140] {strides = array<i32>} : memref<32768xf32, #tpu.memory_space<vmem>>, vector<16xf32>,
      %get3A_142 = vector.shape_cast %get3A_141 : vector<16xf32> to vector<16xf32>
      %abs3A_143 = math.absf %get3A_142 : vector<16xf32>
      %add3A_144 = arith.addf %add3A_135, %abs3A_143 : vector<16xf32>
      %scan3A_145 = arith.constant 15 : i32
      %scan3A_146 = arith.addi %scan3A_12, %scan3A_145 : i32
      %mul3A_147 = arith.constant 16 : i32
      %mul3A_148 = arith.muli %scan3A_146, %mul3A_147 : i32
      %get3A_149 = arith.index_cast %mul3A_148 : i32 to index
      %get3A_150 = tpu.vector_load %arg4[%get3A_149] {strides = array<i32>} : memref<32768xf32, #tpu.memory_space<vmem>>, vector<16xf32>,
      %get3A_151 = vector.shape_cast %get3A_150 : vector<16xf32> to vector<16xf32>
      %abs3A_152 = math.absf %get3A_151 : vector<16xf32>
      %add3A_153 = arith.addf %add3A_144, %abs3A_152 : vector<16xf32>
      scf.yield %add3A_153 : vector<16xf32>
    }
    %scan3A_8 = arith.constant 2048 : i32
    %swap3A = arith.constant 0 : index
    %swap3A_9 = tpu.vector_load %arg5[%swap3A] {strides = array<i32>} : memref<16xf32, #tpu.memory_space<vmem>>, vector<16xf32>,
    %swap3A_10 = vector.shape_cast %swap3A_9 : vector<16xf32> to vector<16xf32>
    %swap3A_11 = vector.shape_cast %scan3A_7 : vector<16xf32> to vector<16xf32>
    tpu.vector_store %arg5[%swap3A], %swap3A_11 {strides = array<i32>} : memref<16xf32, #tpu.memory_space<vmem>>, vector<16xf32>,
    "tpu.region"() ({
      %run_scoped3A = tpu.sem_alloc : memref<!tpu.dma_semaphore, #tpu.memory_space<semaphore_mem>>
      %dma_start3A = arith.constant 0 : i32
      %dma_start3A_12 = tpu.memref_slice %arg3[%add3A, %dma_start3A] : memref<32x16xf32, #tpu.memory_space<hbm>> -> memref<1x16xf32, #tpu.memory_space<hbm>>
      %dma_start3A_13 = tpu.memref_squeeze %dma_start3A_12 : memref<1x16xf32, #tpu.memory_space<hbm>> -> memref<16xf32, #tpu.memory_space<hbm>>
      %dma_start3A_14 = arith.constant 0 : i32
      %dma_start3A_15 = tpu.memref_slice %arg3[%add3A, %dma_start3A_14] : memref<32x16xf32, #tpu.memory_space<hbm>> -> memref<1x16xf32, #tpu.memory_space<hbm>>
      %dma_start3A_16 = tpu.memref_squeeze %dma_start3A_15 : memref<1x16xf32, #tpu.memory_space<hbm>> -> memref<16xf32, #tpu.memory_space<hbm>>
      tpu.enqueue_dma source(%arg5 : memref<16xf32, #tpu.memory_space<vmem>>) target(%dma_start3A_16 : memref<16xf32, #tpu.memory_space<hbm>>) target_semaphore(%run_scoped3A : memref<!tpu.dma_semaphore, #tpu.memory_space<semaphore_mem>>)
      %dma_wait3A = arith.constant 0 : i32
      %dma_wait3A_17 = tpu.memref_slice %arg3[%add3A, %dma_wait3A] : memref<32x16xf32, #tpu.memory_space<hbm>> -> memref<1x16xf32, #tpu.memory_space<hbm>>
      %dma_wait3A_18 = tpu.memref_squeeze %dma_wait3A_17 : memref<1x16xf32, #tpu.memory_space<hbm>> -> memref<16xf32, #tpu.memory_space<hbm>>
      %dma_wait3A_19 = arith.constant 0 : i32
      %dma_wait3A_20 = tpu.memref_slice %arg3[%add3A, %dma_wait3A_19] : memref<32x16xf32, #tpu.memory_space<hbm>> -> memref<1x16xf32, #tpu.memory_space<hbm>>
      %dma_wait3A_21 = tpu.memref_squeeze %dma_wait3A_20 : memref<1x16xf32, #tpu.memory_space<hbm>> -> memref<16xf32, #tpu.memory_space<hbm>>
      tpu.wait_dma2 semaphore(%run_scoped3A : memref<!tpu.dma_semaphore, #tpu.memory_space<semaphore_mem>>) src(%arg5 : memref<16xf32, #tpu.memory_space<vmem>>) dst(%dma_wait3A_21 : memref<16xf32, #tpu.memory_space<hbm>>)
      tpu.yield
    }) : () -> ()
    return
  }
}

module attributes {stable_mosaic.version = 14 : i64} {
  func.func @_tc_body(%arg0: memref<2x16xf32, #tpu.memory_space<vmem>>, %arg1: memref<16xi32, #tpu.memory_space<vmem>>, %arg2: memref<32768xf32, #tpu.memory_space<vmem>>, %arg3: memref<16xi32, #tpu.memory_space<vmem>>, %arg4: memref<32x16xf32, #tpu.memory_space<vmem>>, %arg5: memref<f32, #tpu.memory_space<smem>>, %arg6: memref<f32, #tpu.memory_space<smem>>) attributes {dimension_semantics = [], scalar_prefetch = 0 : i64, scratch_operands = 0 : i64, tpu.core_type = #tpu.core_type<tc>} {
    %get3A = arith.constant 0 : index
    %get3A_0 = arith.constant 0 : index
    %get3A_1 = vector.load %arg0[%get3A, %get3A_0] : memref<2x16xf32, #tpu.memory_space<vmem>>, vector<2x16xf32>
    %slice3A = vector.extract_strided_slice %get3A_1 {offsets = [0, 0], sizes = [1, 16], strides = [1, 1]} : vector<2x16xf32> to vector<1x16xf32>
    %slice3A_2 = vector.extract_strided_slice %get3A_1 {offsets = [1, 0], sizes = [1, 16], strides = [1, 1]} : vector<2x16xf32> to vector<1x16xf32>
    %max3A = arith.maximumf %slice3A, %slice3A_2 : vector<1x16xf32>
    %sub3A = arith.subf %slice3A, %max3A : vector<1x16xf32>
    %exp3A = math.exp %sub3A : vector<1x16xf32>
    %sub3A_3 = arith.subf %slice3A_2, %max3A : vector<1x16xf32>
    %exp3A_4 = math.exp %sub3A_3 : vector<1x16xf32>
    %add3A = arith.addf %exp3A, %exp3A_4 : vector<1x16xf32>
    %log3A = math.log %add3A : vector<1x16xf32>
    %add3A_5 = arith.addf %max3A, %log3A : vector<1x16xf32>
    %get3A_6 = arith.constant 0 : index
    %get3A_7 = vector.load %arg1[%get3A_6] : memref<16xi32, #tpu.memory_space<vmem>>, vector<16xi32>
    %reshape3A = vector.shape_cast %get3A_7 : vector<16xi32> to vector<1x16xi32>
    %eq3A = arith.constant 1 : i32
    %eq3A_8 = vector.broadcast %eq3A : i32 to vector<1x16xi32>
    %eq3A_9 = arith.cmpi eq, %reshape3A, %eq3A_8 : vector<1x16xi32>
    %select_n3A = arith.select %eq3A_9, %slice3A_2, %slice3A : vector<1x16xi1>, vector<1x16xf32>
    %sub3A_10 = arith.subf %select_n3A, %add3A_5 : vector<1x16xf32>
    %reduce_sum3A = vector.shape_cast %sub3A_10 : vector<1x16xf32> to vector<1x1x16xf32>
    %reduce_sum3A_11 = arith.constant dense<0.000000e+00> : vector<1xf32>
    %reduce_sum3A_12 = vector.multi_reduction <add>, %reduce_sum3A, %reduce_sum3A_11 [1, 2] : vector<1x1x16xf32> to vector<1xf32>
    %reduce_sum3A_13 = vector.shape_cast %reduce_sum3A_12 : vector<1xf32> to vector<1x1x1xf32>
    %reduce_sum3A_14 = vector.extract %reduce_sum3A_13[0, 0, 0] : f32 from vector<1x1x1xf32>
    %neg3A = arith.constant 0.000000e+00 : f32
    %neg3A_15 = arith.subf %neg3A, %reduce_sum3A_14 : f32
    %div3A = arith.constant 1.600000e+01 : f32
    %div3A_16 = arith.divf %neg3A_15, %div3A : f32
    %get3A_17 = arith.constant 0 : index
    %get3A_18 = vector.load %arg1[%get3A_17] : memref<16xi32, #tpu.memory_space<vmem>>, vector<16xi32>
    %reshape3A_19 = vector.shape_cast %get3A_18 : vector<16xi32> to vector<16x1xi32>
    %get3A_20 = arith.constant 0 : index
    %get3A_21 = vector.load %arg2[%get3A_20] : memref<32768xf32, #tpu.memory_space<vmem>>, vector<32768xf32>
    %reshape3A_22 = vector.shape_cast %get3A_21 : vector<32768xf32> to vector<16x2048xf32>
    %iota3A = tpu.iota {dimensions = array<i32: 1>} : vector<16x2048xi32>
    %convert_element_type3A = arith.sitofp %iota3A : vector<16x2048xi32> to vector<16x2048xf32>
    %add3A_23 = arith.constant 1.000000e+00 : f32
    %add3A_24 = vector.broadcast %add3A_23 : f32 to vector<16x2048xf32>
    %add3A_25 = arith.addf %convert_element_type3A, %add3A_24 : vector<16x2048xf32>
    %div3A_26 = arith.constant 2.048000e+03 : f32
    %div3A_27 = vector.broadcast %div3A_26 : f32 to vector<16x2048xf32>
    %div3A_28 = arith.divf %add3A_25, %div3A_27 : vector<16x2048xf32>
    %reduce_sum3A_29 = arith.constant dense<0.000000e+00> : vector<16xf32>
    %reduce_sum3A_30 = vector.multi_reduction <add>, %reshape3A_22, %reduce_sum3A_29 [1] : vector<16x2048xf32> to vector<16xf32>
    %broadcast_in_dim3A = vector.shape_cast %reduce_sum3A_30 : vector<16xf32> to vector<16x1xf32>
    %mul3A = arith.mulf %div3A_28, %reshape3A_22 : vector<16x2048xf32>
    %reduce_sum3A_31 = arith.constant dense<0.000000e+00> : vector<16xf32>
    %reduce_sum3A_32 = vector.multi_reduction <add>, %mul3A, %reduce_sum3A_31 [1] : vector<16x2048xf32> to vector<16xf32>
    %broadcast_in_dim3A_33 = vector.shape_cast %reduce_sum3A_32 : vector<16xf32> to vector<16x1xf32>
    %div3A_34 = arith.divf %broadcast_in_dim3A_33, %broadcast_in_dim3A : vector<16x1xf32>
    %get3A_35 = arith.constant 0 : index
    %get3A_36 = vector.load %arg3[%get3A_35] : memref<16xi32, #tpu.memory_space<vmem>>, vector<16xi32>
    %reshape3A_37 = vector.shape_cast %get3A_36 : vector<16xi32> to vector<16x1xi32>
    %convert_element_type3A_38 = arith.sitofp %reshape3A_37 : vector<16x1xi32> to vector<16x1xf32>
    %eq3A_39 = arith.constant 1 : i32
    %eq3A_40 = vector.broadcast %eq3A_39 : i32 to vector<16x1xi32>
    %eq3A_41 = arith.cmpi eq, %reshape3A_19, %eq3A_40 : vector<16x1xi32>
    %div3A_42 = arith.constant 1.000000e+00 : f32
    %div3A_43 = vector.broadcast %div3A_42 : f32 to vector<16x1xf32>
    %div3A_44 = arith.divf %div3A_43, %convert_element_type3A_38 : vector<16x1xf32>
    %div3A_45 = arith.constant 1.000000e+03 : f32
    %div3A_46 = vector.broadcast %div3A_45 : f32 to vector<16x1xf32>
    %div3A_47 = arith.divf %div3A_46, %convert_element_type3A_38 : vector<16x1xf32>
    %select_n3A_48 = arith.select %eq3A_41, %div3A_44, %div3A_47 : vector<16x1xi1>, vector<16x1xf32>
    %sub3A_49 = vector.broadcast %div3A_34 : vector<16x1xf32> to vector<16x2048xf32>
    %sub3A_50 = arith.subf %div3A_28, %sub3A_49 : vector<16x2048xf32>
    %div3A_51 = vector.broadcast %select_n3A_48 : vector<16x1xf32> to vector<16x2048xf32>
    %div3A_52 = arith.divf %sub3A_50, %div3A_51 : vector<16x2048xf32>
    %mul3A_53 = arith.constant -5.000000e-01 : f32
    %mul3A_54 = vector.broadcast %mul3A_53 : f32 to vector<16x2048xf32>
    %mul3A_55 = arith.mulf %mul3A_54, %div3A_52 : vector<16x2048xf32>
    %mul3A_56 = arith.mulf %mul3A_55, %div3A_52 : vector<16x2048xf32>
    %exp3A_57 = math.exp %mul3A_56 : vector<16x2048xf32>
    %div3A_58 = arith.constant 0.398942292 : f32
    %div3A_59 = vector.broadcast %div3A_58 : f32 to vector<16x1xf32>
    %div3A_60 = arith.divf %div3A_59, %select_n3A_48 : vector<16x1xf32>
    %mul3A_61 = vector.broadcast %div3A_60 : vector<16x1xf32> to vector<16x2048xf32>
    %mul3A_62 = arith.mulf %exp3A_57, %mul3A_61 : vector<16x2048xf32>
    %reduce_sum3A_63 = arith.constant dense<0.000000e+00> : vector<16xf32>
    %reduce_sum3A_64 = vector.multi_reduction <add>, %mul3A_62, %reduce_sum3A_63 [1] : vector<16x2048xf32> to vector<16xf32>
    %broadcast_in_dim3A_65 = vector.shape_cast %reduce_sum3A_64 : vector<16xf32> to vector<16x1xf32>
    %add3A_66 = arith.constant 9.99999997E-7 : f32
    %add3A_67 = vector.broadcast %add3A_66 : f32 to vector<16x1xf32>
    %add3A_68 = arith.addf %broadcast_in_dim3A_65, %add3A_67 : vector<16x1xf32>
    %div3A_69 = vector.broadcast %add3A_68 : vector<16x1xf32> to vector<16x2048xf32>
    %div3A_70 = arith.divf %mul3A_62, %div3A_69 : vector<16x2048xf32>
    %sub3A_71 = arith.subf %reshape3A_22, %div3A_70 : vector<16x2048xf32>
    %mul3A_72 = arith.mulf %sub3A_71, %sub3A_71 : vector<16x2048xf32>
    %reduce_sum3A_73 = vector.shape_cast %mul3A_72 : vector<16x2048xf32> to vector<1x16x2048xf32>
    %reduce_sum3A_74 = arith.constant dense<0.000000e+00> : vector<1xf32>
    %reduce_sum3A_75 = vector.multi_reduction <add>, %reduce_sum3A_73, %reduce_sum3A_74 [1, 2] : vector<1x16x2048xf32> to vector<1xf32>
    %reduce_sum3A_76 = vector.shape_cast %reduce_sum3A_75 : vector<1xf32> to vector<1x1x1xf32>
    %reduce_sum3A_77 = vector.extract %reduce_sum3A_76[0, 0, 0] : f32 from vector<1x1x1xf32>
    %div3A_78 = arith.constant 3.276800e+04 : f32
    %div3A_79 = arith.divf %reduce_sum3A_77, %div3A_78 : f32
    %mul3A_80 = arith.constant 5.000000e-01 : f32
    %mul3A_81 = arith.mulf %mul3A_80, %div3A_79 : f32
    %get3A_82 = arith.constant 0 : index
    %get3A_83 = arith.constant 0 : index
    %get3A_84 = vector.load %arg4[%get3A_82, %get3A_83] : memref<32x16xf32, #tpu.memory_space<vmem>>, vector<32x16xf32>
    %reduce_sum3A_85 = vector.shape_cast %get3A_84 : vector<32x16xf32> to vector<1x32x16xf32>
    %reduce_sum3A_86 = arith.constant dense<0.000000e+00> : vector<1xf32>
    %reduce_sum3A_87 = vector.multi_reduction <add>, %reduce_sum3A_85, %reduce_sum3A_86 [1, 2] : vector<1x32x16xf32> to vector<1xf32>
    %reduce_sum3A_88 = vector.shape_cast %reduce_sum3A_87 : vector<1xf32> to vector<1x1x1xf32>
    %reduce_sum3A_89 = vector.extract %reduce_sum3A_88[0, 0, 0] : f32 from vector<1x1x1xf32>
    %mul3A_90 = arith.constant 5.000000e-05 : f32
    %mul3A_91 = arith.mulf %mul3A_90, %reduce_sum3A_89 : f32
    %swap3A = memref.load %arg6[] : memref<f32, #tpu.memory_space<smem>>
    memref.store %div3A_16, %arg6[] : memref<f32, #tpu.memory_space<smem>>
    %add3A_92 = arith.addf %div3A_16, %mul3A_91 : f32
    %add3A_93 = arith.addf %add3A_92, %mul3A_81 : f32
    %swap3A_94 = memref.load %arg5[] : memref<f32, #tpu.memory_space<smem>>
    memref.store %add3A_93, %arg5[] : memref<f32, #tpu.memory_space<smem>>
    return
  }
}

</mosaic_0001>

<sc_bundles>
// kernel: _run.4.cloned.1.call-start
scs
__scs_entry_jumppad:
0x0: {  	(pc) =	sbr.rel $0x88, $3  }
0x1: {  	(tag) =	ssettag $0x0;
	lr =	simm.s32 $0x1  }
0x2: {  	[smem:$0x3F9C] =	sst lr;
	_ =	strace $0xD0000000  }
0x3: {  	_ = 	snop  }
0x4: {  	_ = 	snop  }
0x5: {  	_ = 	snop  }
0x6: {  	_ = 	snop  }
0x7: {  	_ = 	snop  }
__scs_overlays_trampoline_lowered:
0x8: {  	[smem:$0x3FAB] =	sst s0  }
0x9: {  	[smem:$0x3FAC] =	sst s1  }
0xa: {  	[smem:$0x3FAD] =	sst s2  }
0xb: {  	[smem:$0x3FAE] =	sst s3  }
0xc: {  	[smem:$0x3FAF] =	sst s4  }
0xd: {  	[smem:$0x3FB0] =	sst s5  }
0xe: {  	[smem:$0x3FB1] =	sst s6  }
0xf: {  	[smem:$0x3FB2] =	sst s7  }
0x10: {  	[smem:$0x3FB3] =	sst s8  }
0x11: {  	[smem:$0x3FB4] =	sst s9;
	s0 =	simm.s32 @!p0 $0x0  }
0x12: {  	s1 =	sld [smem:$0x3F9A];
	s0 =	simm.s32 @p0 $0x1  }
0x13: {  	[smem:$0x3FB5] =	sst s0;
	s0 =	simm.s32 @!p1 $0x0  }
0x14: {  	s2 =	sld [smem:$0x3F99];
	s0 =	simm.s32 @p1 $0x1  }
0x15: {  	[smem:$0x3FB6] =	sst s0;
	s0 =	simm.s32 @!p2 $0x0  }
0x16: {  	s3 =	sld [smem:$0x3FDB];
	s0 =	simm.s32 @p2 $0x1  }
0x17: {  	s4 =	simm.s32 $0x1BF5;
	[smem:$0x3FB8] =	sst s0  }
0x18: {  	s0 =	sld [smem:$0x3F9B];
	_ =	swait.ge [sflag:s4], $0x0  }
0x19: {  	s7 =	sld [smem:$0x3F9C]  }
0x1a: {  	s8 =	sadd.s32 $0xFFFFE003, lr  }
0x1b: {  	s9 =	sadd.s32 $0xFFFFFEF7, lr;
	s5 =	simm.s32 $0xFFFFFFFF;
	p2 =	slt.u32 s8, $0xFFFFF086  }
0x1c: {  	p1 =	slt.u32 s9, $0xF7A;
	s5 =	simm.s32 @!p2 $0x0  }
0x1d: {  	s5 =	simm.s32 @p1 $0x1;
	p0 =	seq.s32 s7, s2  }
0x1e: {  	s7 =	smul.u32 @!p0 $0xF7A, s2;
	p2 =	seq.s32 @!p0 s5, $0x0  }
0x1f: {  	s9 =	smul.u32 $0xF7A, s1;
	s8 =	simm.s32 @!p0 $0x1BF5;
	p2 =	por !p2, p0  }
0x20: {  	[sflag:s8] =	ssyncset.s32 @!p0 $0xFFFFF086;
	s6 =	sadd.s32 @!p0 s3, s7;
	s7 =	simm.s32 @!p0 $0x108  }
0x21: {  	s3 =	sadd.s32 s3, s9;
	s6 =	sadd.s32 @!p0 $0x88, s6;
	s7 =	simm.s32 @p2 $0x1082  }
0x22: {  	[simem:s7], [sflag:s8] =	dma.local @!p0 [hbm:s6], $0xF7A  }
0x23: {  	s9 =	sor.u32 $0xD0000000, s2;
	s6 =	simm.s32 $0x108;
	_ =	swait.ge @!p0 [sflag:s8], $0x0  }
0x24: {  	s3 =	sadd.s32 $0x88, s3;
	s6 =	simm.s32 @!p1 $0x1082;
	[sflag:s4] =	ssyncset.s32 $0xFFFFF086  }
0x25: {  	[simem:s6], [sflag:s4] =	dma.local [hbm:s3], $0xF7A  }
0x26: {  	[smem:$0x3F9C] =	sst s1;
	(tag) =	ssettag s2;
	_ =	strace s9  }
0x27: {  	s1 =	sld [smem:$0x3FAC]  }
0x28: {  	s2 =	sld [smem:$0x3FAD]  }
0x29: {  	s4 =	sld [smem:$0x3FAF]  }
0x2a: {  	p0 =	seq.s32 s5, $0x0;
	s5 =	sld [smem:$0x3FB0]  }
0x2b: {  	s6 =	sld [smem:$0x3FB1]  }
0x2c: {  	s7 =	sld [smem:$0x3FB2]  }
0x2d: {  	s3 =	simm.s32 $0x108;
	s8 =	sld [smem:$0x3FB3]  }
0x2e: {  	s3 =	simm.s32 @!p0 $0x1082;
	s9 =	sld [smem:$0x3FB4]  }
0x2f: {  	lr =	sadd.s32 s0, s3;
	s0 =	sld [smem:$0x3FAB]  }
0x30: {  	s3 =	sld [smem:$0x3FAE]  }
0x31: {  	[smem:$0x3FB7] =	sst s10  }
0x32: {  	s10 =	sld [smem:$0x3FB5];
	_ =	sdelay $0x3  }
0x33: {  	p0 =	seq.s32 s10, $0x1;
	s10 =	sld [smem:$0x3FB7];
	_ =	sdelay $0x3  }
0x34: {  	[smem:$0x3FB7] =	sst s10  }
0x35: {  	s10 =	sld [smem:$0x3FB6];
	_ =	sdelay $0x3  }
0x36: {  	p1 =	seq.s32 s10, $0x1;
	s10 =	sld [smem:$0x3FB7];
	_ =	sdelay $0x3  }
0x37: {  	[smem:$0x3FB7] =	sst s10  }
0x38: {  	s10 =	sld [smem:$0x3FB8]  }
0x39: {  	_ = 	snop;
	(pc) =	sbr.ind lr, $3  }
0x3a: {  	_ = 	snop  }
0x3b: {  	_ = 	snop  }
0x3c: {  	p2 =	seq.s32 s10, $0x1;
	s10 =	sld [smem:$0x3FB7]  }
0x3d: {  	_ =	shalt  }
0x3e: {  	_ =	shalt  }
0x3f: {  	_ =	shalt  }
0x40: {  	_ =	shalt  }
0x41: {  	_ =	shalt  }
0x42: {  	_ =	shalt  }
0x43: {  	_ =	shalt  }
0x44: {  	_ =	shalt  }
0x45: {  	_ =	shalt  }
0x46: {  	_ =	shalt  }
0x47: {  	_ =	shalt  }
0x48: {  	_ =	shalt  }
0x49: {  	_ =	shalt  }
0x4a: {  	_ =	shalt  }
0x4b: {  	_ =	shalt  }
0x4c: {  	_ =	shalt  }
0x4d: {  	_ =	shalt  }
0x4e: {  	_ =	shalt  }
0x4f: {  	_ =	shalt  }
0x50: {  	_ =	shalt  }
0x51: {  	_ =	shalt  }
0x52: {  	_ =	shalt  }
0x53: {  	_ =	shalt  }
0x54: {  	_ =	shalt  }
0x55: {  	_ =	shalt  }
0x56: {  	_ =	shalt  }
0x57: {  	_ =	shalt  }
0x58: {  	_ =	shalt  }
0x59: {  	_ =	shalt  }
0x5a: {  	_ =	shalt  }
0x5b: {  	_ =	shalt  }
0x5c: {  	_ =	shalt  }
0x5d: {  	_ =	shalt  }
0x5e: {  	_ =	shalt  }
0x5f: {  	_ =	shalt  }
0x60: {  	_ =	shalt  }
0x61: {  	_ =	shalt  }
0x62: {  	_ =	shalt  }
0x63: {  	_ =	shalt  }
0x64: {  	_ =	shalt  }
0x65: {  	_ =	shalt  }
0x66: {  	_ =	shalt  }
0x67: {  	_ =	shalt  }
0x68: {  	_ =	shalt  }
0x69: {  	_ =	shalt  }
0x6a: {  	_ =	shalt  }
0x6b: {  	_ =	shalt  }
0x6c: {  	_ =	shalt  }
0x6d: {  	_ =	shalt  }
0x6e: {  	_ =	shalt  }
0x6f: {  	_ =	shalt  }
0x70: {  	_ =	shalt  }
0x71: {  	_ =	shalt  }
0x72: {  	_ =	shalt  }
0x73: {  	_ =	shalt  }
0x74: {  	_ =	shalt  }
0x75: {  	_ =	shalt  }
0x76: {  	_ =	shalt  }
0x77: {  	_ =	shalt  }
0x78: {  	_ =	shalt  }
0x79: {  	_ =	shalt  }
0x7a: {  	_ =	shalt  }
0x7b: {  	_ =	shalt  }
0x7c: {  	_ =	shalt  }
0x7d: {  	_ =	shalt  }
0x7e: {  	_ =	shalt  }
0x7f: {  	_ =	shalt  }
0x80: {  	_ =	shalt  }
0x81: {  	_ =	shalt  }
0x82: {  	_ =	shalt  }
0x83: {  	_ =	shalt  }
0x84: {  	_ =	shalt  }
0x85: {  	_ =	shalt  }
0x86: {  	_ =	shalt  }
0x87: {  	_ =	shalt  }
.Lfunc_end0:
.L_simem_size_0:
called_computation_lowered:
.L_overlay_start_0:
0x88: {  	s2 =	sld [smem:$0x3FD9]  }
0x89: {  	s3 =	sld [smem:$0x3FFE];
	_ =	sdelay $0x1  }
0x8a: {  	s1 =	srdreg.scid  }
0x8b: {  	s0 =	sand.u32 $0x1, s1  }
0x8c: {  	s17 =	sshll.u32 s0, $0xA;
	s2 =	sadd.s32 s3, s2  }
0x8d: {  	s2 =	sadd.s32 s2, s17  }
0x8e: {  	[smem:$0x3FC3] =	sst s2  }
0x8f: {  	_ = 	snop  }
0x90: {  	s2 =	sld [smem:$0x3FC5];
	(tm) =	ssettm $0x1  }
0x91: {  	s18 =	sld [smem:$0x3FFB];
	_ =	sdelay $0x3  }
0x92: {  	_ =	strace s18  }
0x93: {  	s3 =	sld [smem:$0x3FFC];
	_ =	sdelay $0x3  }
0x94: {  	_ =	strace s3  }
0x95: {  	s3 =	sld [smem:$0x3FFD];
	_ =	sdelay $0x3  }
0x96: {  	_ =	strace s3  }
0x97: {  	_ =	strace $0x8FFFFFFF  }
0x98: {  	s19 =	sld [smem:$0x3FDB];
	_ =	sdelay $0x1  }
0x99: {  	s4 =	simm.s32 $_scs_section_size  }
0x9a: {  	s5 =	simm.s32 $_size__tile_overlayer_lowered;
	s6 =	simm.s32 $_tile_overlayer_lowered  }
0x9b: {  	s22 =	simm.s32 $0x1BFF;
	s21 =	sshll.u32 s6, $0x1;
	s3 =	sadd.s32 s4, s19  }
0x9c: {  	s7 =	simm.s32 $0x0;
	s20 =	sshll.u32 s5, $0x1;
	s5 =	sadd.s32 s21, s3  }
0x9d: {  	[timem:s7], [sflag:s22] =	dma.local [hbm:s5], s20  }
0x9e: {  	_ =	swait.ge [sflag:s22], s20  }
0x9f: {  	s4 =	ssub.s32 $0x0, s20;
	[sflag:s22] =	ssyncset.done $0x0  }
0xa0: {  	[sflag:s22] =	ssyncadd.s32 s4;
	_ =	sdelay $0x1  }
0xa1: {  	s23 =	simm.s32 $0x1B8B  }
0xa2: {  	_ =	swait.ge [sflag:s23], $0x1  }
0xa3: {  	[sflag:s23] =	ssyncset.done $0x0  }
0xa4: {  	s25 =	simm.s32 $0x1B8E;
	s24 =	sld [smem:$0x3FFE];
	[sflag:s23] =	ssyncadd.s32 $0xFFFFFFFF  }
0xa5: {  	s26 =	simm.s32 $execute0_lowered;
	[smem:$0x3FD2] =	sst s25  }
0xa6: {  	s5 =	sshll.u32 s26, $0x1;
	_ =	strace $0x80000046;
	[dreg:$0x1] =	wrdreg $0xFFFFFFFF  }
0xa7: {  	s28 =	simm.s32 $_size_execute0_lowered;
	s3 =	sadd.s32 s3, s5;
	[dreg:$0x0] =	wrdreg $0x0  }
0xa8: {  	s5 =	sshll.u32 s28, $0x1;
	[dreg:$0x2] =	wrdreg s3  }
0xa9: {  	[dreg:$0x3] =	wrdreg s5  }
0xaa: {  	[dreg:$0x4] =	wrdreg $0xC0  }
0xab: {  	_ =	task [dreg:s7], $0x5FFFF  }
0xac: {  	[dreg:$0x1] =	wrdreg $0xFFFFFFFF  }
0xad: {  	[dreg:$0x0] =	wrdreg $0x60  }
0xae: {  	[dreg:$0x2] =	wrdreg s2  }
0xaf: {  	[dreg:$0x3] =	wrdreg s24  }
0xb0: {  	[dreg:$0x4] =	wrdreg $0x9  }
0xb1: {  	_ =	task.clear_ibuf [dreg:s7], $0x5FFFF;
	_ =	strace $0x90000046  }
0xb2: {  	s29 =	simm.s32 $0x9;
	_ =	strace $0x80000048  }
0xb3: {  	_ =	swait.ge [sflag:s29], $0x1  }
0xb4: {  	[sflag:s29] =	ssyncadd.s32 $0xFFFFFFFF  }
0xb5: {  	_ =	strace $0x90000048  }
0xb6: {  	_ =	sfence  }
0xb7: {  	s30 =	sld [smem:$0x0];
	_ =	sdelay $0x2  }
0xb8: {  	s31 =	sshll.u32 s1, $0xD;
	s1 =	sshrl.u32 s1, $0x2  }
0xb9: {  	s3 =	sand.u32 $0x4000, s31;
	s1 =	sadd.s32 s1, s30  }
0xba: {  	s0 =	sor.u32 s3, s0;
	s1 =	sshll.u32 s1, $0x11  }
0xbb: {  	s0 =	sor.u32 s1, s0  }
0xbc: {  	s0 =	sadd.s32 $0x8F2B, s0  }
0xbd: {  	[sflag:s0] =	ssyncadd.remote.s32 $0x1  }
0xbe: {  	_ =	sfence.sel $0xFFFF  }
0xbf: {  	[dreg:$0x0] =	wrdreg $0xFFFFFFFF;
	(pc) =	sbr.abs _section_cstart, $3  }
0xc0: {  	[dreg:$0x1] =	wrdreg $0xFFFFFFFF  }
0xc1: {  	_ =	task.clear_ibuf [dreg:s7], $0x2FFFF;
	_ =	strace $0x9FFFFFFF  }
0xc2: {  	(tm) =	ssettm $0x7FFFFFFF  }
0xc3: {  	_ =	shalt  }
tec
execute0_lowered:
.L_overlay_start_1:
0x0: {  	(tag) =	ssettag $0x1  }
0x1: {  	s3 =	rddreg [dreg:$0x0]  }
0x2: {  	s4 =	rddreg [dreg:$0x1]  }
0x3: {  	s0 =	rddreg [dreg:$0x2]  }
0x4: {  	s5 =	srdreg.scid;
	s1 =	stileid.u32  }
0x5: {  	s2 =	simm.s32 $0x0;
	s5 =	sand.u32 $0x1, s5;
	s6 =	sshll.u32 s1, $0x1  }
0x6: {  	[smem:$0x7FF] =	sst s2;
	s6 =	sor.u32 s5, s6;
	s5 =	ssub.s32 $0x2, s5  }
0x7: {  	_ =	strace $0x80000047;
	s7 =	sshll.u32 s6, $0x4;
	s8 =	sshrl.u32 s5, $0x1  }
0x8: {  	s6 =	sshll.u32 s6, $0xC;
	s4 =	sadd.s32 s7, s4;
	s5 =	ssub.s32 s5, s8  }
0x9: {  	s3 =	sadd.s32 s3, s6;
	s6 =	simm.s32 $0x1;
	s7 =	simm.s32 $0x8000  }
0xa: {  	s8 =	simm.s32 $0x0;
	s4 =	sadd.s32 $0xE00, s4;
	s5 =	smax.u32 s5, $0x1  }
.LBB2_1:
0xb: {  	[tilespmem:s2], [sflag:$0x1] =	stream.linear.gather [hbm4b:s3+s2], $0x8000, $0x38;
	[tilespmem:$0x8080] =	vst v63  }
0xc: {  	_ =	swait.ge [sflag:s6], $0x8000  }
0xd: {  	[sflag:s6] =	ssyncset.done $0x0  }
0xe: {  	s10 =	simm.s32 $0x80;
	[sflag:s6] =	ssyncadd.s32 $0xFFFF8000  }
0xf: {  	v0 =	vld [tilespmem:s10+$0xFFFFFF80];
	_ =	sdelay $0x1  }
0x10: {  	v1 =	vld [tilespmem:s10+$0xFFFFFF90];
	_ =	sdelay $0x1  }
0x11: {  	v2 =	vld [tilespmem:s10+$0xFFFFFFA0]  }
0x12: {  	v3 =	vimm.f32 $0.0e+00;
	v0 =	vand.u32 $0x7FFFFFFF, v0  }
0x13: {  	v0 =	vadd.f32 v0, v3;
	v3 =	vld [tilespmem:s10+$0xFFFFFFB0]  }
0x14: {  	v1 =	vand.u32 $0x7FFFFFFF, v1  }
0x15: {  	v0 =	vadd.f32 v1, v0;
	v1 =	vld [tilespmem:s10+$0xFFFFFFC0]  }
0x16: {  	v2 =	vand.u32 $0x7FFFFFFF, v2  }
0x17: {  	v0 =	vadd.f32 v2, v0;
	v2 =	vld [tilespmem:s10+$0xFFFFFFD0]  }
0x18: {  	v3 =	vand.u32 $0x7FFFFFFF, v3  }
0x19: {  	v0 =	vadd.f32 v3, v0;
	v3 =	vld [tilespmem:s10+$0xFFFFFFE0]  }
0x1a: {  	v1 =	vand.u32 $0x7FFFFFFF, v1  }
0x1b: {  	v0 =	vadd.f32 v1, v0;
	v1 =	vld [tilespmem:s10+$0xFFFFFFF0]  }
0x1c: {  	v2 =	vand.u32 $0x7FFFFFFF, v2  }
0x1d: {  	v0 =	vadd.f32 v2, v0;
	v2 =	vld [tilespmem:s10+$0x0]  }
0x1e: {  	v3 =	vand.u32 $0x7FFFFFFF, v3  }
0x1f: {  	v0 =	vadd.f32 v3, v0;
	v3 =	vld [tilespmem:s10+$0x10]  }
0x20: {  	v1 =	vand.u32 $0x7FFFFFFF, v1  }
0x21: {  	v0 =	vadd.f32 v1, v0;
	v1 =	vld [tilespmem:s10+$0x20]  }
0x22: {  	v2 =	vand.u32 $0x7FFFFFFF, v2  }
0x23: {  	v0 =	vadd.f32 v2, v0;
	v2 =	vld [tilespmem:s10+$0x30]  }
0x24: {  	v3 =	vand.u32 $0x7FFFFFFF, v3  }
0x25: {  	v0 =	vadd.f32 v3, v0;
	v3 =	vld [tilespmem:s10+$0x40]  }
0x26: {  	v1 =	vand.u32 $0x7FFFFFFF, v1  }
0x27: {  	v4 =	vld [tilespmem:s10+$0x50];
	v0 =	vadd.f32 v1, v0  }
0x28: {  	v1 =	vand.u32 $0x7FFFFFFF, v2  }
0x29: {  	v1 =	vadd.f32 v1, v0;
	v0 =	vld [tilespmem:s10+$0x60]  }
0x2a: {  	v2 =	vand.u32 $0x7FFFFFFF, v3  }
0x2b: {  	v2 =	vadd.f32 v2, v1;
	v1 =	vld [tilespmem:s10+$0x70]  }
0x2c: {  	s9 =	simm.s32 $0x0;
	v3 =	vand.u32 $0x7FFFFFFF, v4;
	s10 =	simm.s32 $0x180  }
.LBB2_2:
0x2d: {  	v4 =	vld [tilespmem:s10+$0xFFFFFF80];
	s9 =	sadd.s32 $0x10, s9;
	v2 =	vadd.f32 v3, v2  }
0x2e: {  	p0 =	slt.u32 s9, $0x7F0;
	v0 =	vand.u32 $0x7FFFFFFF, v0  }
0x2f: {  	v3 =	vld [tilespmem:s10+$0xFFFFFF90];
	v0 =	vadd.f32 v0, v2  }
0x30: {  	v1 =	vand.u32 $0x7FFFFFFF, v1  }
0x31: {  	v2 =	vld [tilespmem:s10+$0xFFFFFFA0];
	v0 =	vadd.f32 v1, v0  }
0x32: {  	v1 =	vand.u32 $0x7FFFFFFF, v4  }
0x33: {  	v0 =	vadd.f32 v1, v0;
	v1 =	vld [tilespmem:s10+$0xFFFFFFB0]  }
0x34: {  	v3 =	vand.u32 $0x7FFFFFFF, v3  }
0x35: {  	v0 =	vadd.f32 v3, v0;
	v3 =	vld [tilespmem:s10+$0xFFFFFFC0]  }
0x36: {  	v2 =	vand.u32 $0x7FFFFFFF, v2  }
0x37: {  	v0 =	vadd.f32 v2, v0;
	v2 =	vld [tilespmem:s10+$0xFFFFFFD0]  }
0x38: {  	v1 =	vand.u32 $0x7FFFFFFF, v1  }
0x39: {  	v0 =	vadd.f32 v1, v0;
	v1 =	vld [tilespmem:s10+$0xFFFFFFE0]  }
0x3a: {  	v3 =	vand.u32 $0x7FFFFFFF, v3  }
0x3b: {  	v0 =	vadd.f32 v3, v0;
	v3 =	vld [tilespmem:s10+$0xFFFFFFF0]  }
0x3c: {  	v2 =	vand.u32 $0x7FFFFFFF, v2  }
0x3d: {  	v0 =	vadd.f32 v2, v0;
	v2 =	vld [tilespmem:s10+$0x0]  }
0x3e: {  	v1 =	vand.u32 $0x7FFFFFFF, v1  }
0x3f: {  	v0 =	vadd.f32 v1, v0;
	v1 =	vld [tilespmem:s10+$0x10]  }
0x40: {  	v3 =	vand.u32 $0x7FFFFFFF, v3  }
0x41: {  	v0 =	vadd.f32 v3, v0;
	v3 =	vld [tilespmem:s10+$0x20]  }
0x42: {  	v2 =	vand.u32 $0x7FFFFFFF, v2  }
0x43: {  	v0 =	vadd.f32 v2, v0;
	v2 =	vld [tilespmem:s10+$0x30]  }
0x44: {  	v1 =	vand.u32 $0x7FFFFFFF, v1  }
0x45: {  	v0 =	vadd.f32 v1, v0;
	v1 =	vld [tilespmem:s10+$0x40]  }
0x46: {  	v3 =	vand.u32 $0x7FFFFFFF, v3  }
0x47: {  	v0 =	vadd.f32 v3, v0;
	v3 =	vld [tilespmem:s10+$0x50]  }
.Ltmp0:
0x48: {  	v2 =	vand.u32 $0x7FFFFFFF, v2;
	(pc) =	sbr.rel @p0 .LBB2_2-.Ltmp0, $4  }
0x49: {  	v2 =	vadd.f32 v2, v0;
	v0 =	vld [tilespmem:s10+$0x60]  }
0x4a: {  	v1 =	vand.u32 $0x7FFFFFFF, v1  }
0x4b: {  	v2 =	vadd.f32 v1, v2;
	v1 =	vld [tilespmem:s10+$0x70]  }
0x4c: {  	s10 =	sadd.s32 $0x100, s10;
	v3 =	vand.u32 $0x7FFFFFFF, v3  }
0x4d: {  	v2 =	vadd.f32 v3, v2  }
0x4e: {  	v0 =	vand.u32 $0x7FFFFFFF, v0  }
0x4f: {  	v0 =	vadd.f32 v0, v2  }
0x50: {  	v1 =	vand.u32 $0x7FFFFFFF, v1  }
0x51: {  	s8 =	sadd.s32 $0x1, s8;
	v0 =	vadd.f32 v1, v0  }
0x52: {  	p0 =	sne.s32 s8, s5  }
.Ltmp1:
0x53: {  	[tilespmem:$0x8000] =	vst v0;
	(pc) =	sbr.rel @p0 .LBB2_1-.Ltmp1, $4  }
0x54: {  	[hbm4b:s4+s2] =	stream.linear.scatter [tilespmem:s7], [sflag:$0x1], $0x80, $0x38;
	[tilespmem:$0x8080] =	vst v63  }
0x55: {  	_ =	swait.ge [sflag:s6], $0x80  }
0x56: {  	[sflag:s6] =	ssyncset.done $0x0  }
0x57: {  	[sflag:s6] =	ssyncadd.s32 $0xFFFFFF80  }
0x58: {  	_ =	sfence.sel $0x180000  }
0x59: {  	[bflag:$0x0] =	sbarrier.arrive $0xFFFF  }
0x5a: {  	p0 =	sne.s32 s1, $0x0;
	_ =	strace $0x90000047  }
0x5b: {  	s0 =	sadd.s32 @!p0 $0x100000, s0;
	[bflag:$0x2] =	sbarrier.arrive $0xFFFF  }
0x5c: {  	[sflag:s0] =	ssyncadd.tile.s32 @!p0 $0x1;
	_ =	shalt  }
.Lfunc_end2:
_tile_overlayer_lowered:
.L_overlay_start_2:
0x5d: {  	(tag) =	ssettag $0x2  }
0x5e: {  	s0 =	rddreg [dreg:$0x0];
	s2 =	stileid.u32  }
0x5f: {  	s1 =	rddreg [dreg:$0x1];
	p0 =	sne.s32 s2, $0x0  }
0x60: {  	s3 =	rddreg [dreg:$0x2];
	[bflag:$0x3] =	sbarrier.arrive $0xFFFF;
	s2 =	simm.s32 @!p0 $0x1C01  }
0x61: {  	[timem:s3], [sflag:s2] =	dma.local @!p0 [hbm:s0], s1  }
0x62: {  	s0 =	simm.s32 @!p0 $0x1  }
0x63: {  	_ =	swait.ge @!p0 [sflag:s0], s1  }
0x64: {  	s1 =	ssub.s32 @!p0 $0x0, s1;
	[sflag:s0] =	ssyncset.done @!p0 $0x0  }
0x65: {  	[sflag:s0] =	ssyncadd.s32 @!p0 s1  }
0x66: {  	[bflag:$0x3] =	sbarrier.arrive $0xFFFF  }
0x67: {  	_ =	shalt  }

</sc_bundles>
